<compile_context>
chip_gen: v7x
topology: tpu7x:2x2x1
jax: 0.10.2.dev20260603
libtpu: 0.0.44.dev20260713+nightly
codegen_flags: <defaults>
</compile_context>

<pallas_src>
import dataclasses
import functools
import math

import jax
import jax.numpy as jnp
from jax import lax
from jax.experimental import pallas as pl
from jax.experimental.pallas import tpu as pltpu
from jax.experimental.pallas import tpu_sc as plsc

_EPS = 1e-6
_INV_PI = 1.0 / math.pi

_NUM_CORES = 2
_NUM_SUBCORES = 16
_LANES = 16
_NUM_WORKERS = _NUM_CORES * _NUM_SUBCORES


def _log_radius_tc(seg_t, res2d, h_blk):
    h, w, b = seg_t.shape
    n_h = h // h_blk

    n_t = b // 128

    def body(res_ref, seg_ref, out_ref, acc_ref):
        step = pl.program_id(0)
        part = jnp.sum(seg_ref[...], axis=0)
        part = jnp.sum(part, axis=0, keepdims=True)

        @pl.when(step == 0)
        def _():
            acc_ref[...] = jnp.zeros_like(acc_ref)

        acc_ref[...] += part

        @pl.when(step == n_h - 1)
        def _():
            for t in range(n_t):
                pc = acc_ref[:, pl.ds(t * 128, 128)]
                rv = res_ref[pl.ds(t, 1), :]
                area = pc * rv * rv
                radius = jnp.sqrt(area * _INV_PI)
                out_ref[pl.ds(t, 1), :] = jnp.log(jnp.maximum(radius, _EPS))

    return pl.pallas_call(
        body,
        grid=(n_h,),
        in_specs=[
            pl.BlockSpec((n_t, 128), lambda i: (0, 0)),
            pl.BlockSpec((h_blk, w, b), lambda i: (i, 0, 0)),
        ],
        out_specs=pl.BlockSpec((n_t, 128), lambda i: (0, 0)),
        out_shape=jax.ShapeDtypeStruct((n_t, 128), jnp.float32),
        scratch_shapes=[pltpu.VMEM((1, b), jnp.float32)],
    )(res2d, seg_t)


def _finalize_sc(cat, logr, slopes, icepts):
    b = cat.shape[0]
    bpw = b // _NUM_WORKERS
    n_cat = slopes.shape[0]
    mesh = plsc.VectorSubcoreMesh(core_axis_name="c", subcore_axis_name="s")
    cp = pltpu.CompilerParams()
    if "needs_layout_passes" in pltpu.CompilerParams.__dataclass_fields__:
        cp = dataclasses.replace(cp, needs_layout_passes=False)

    @functools.partial(
        pl.kernel,
        mesh=mesh,
        compiler_params=cp,
        out_type=jax.ShapeDtypeStruct((b,), jnp.float32),
        scratch_types=[
            pltpu.VMEM((bpw,), jnp.int32),
            pltpu.VMEM((bpw,), jnp.float32),
            pltpu.VMEM((n_cat,), jnp.float32),
            pltpu.VMEM((n_cat,), jnp.float32),
            pltpu.VMEM((bpw,), jnp.float32),
            pltpu.SemaphoreType.DMA,
            pltpu.SemaphoreType.DMA,
            pltpu.SemaphoreType.DMA,
            pltpu.SemaphoreType.DMA,
        ],
    )
    def body(cat_hbm, lr_hbm, s_hbm, ic_hbm, out_hbm,
             idx_v, lr_v, s_v, ic_v, o_v, sem0, sem1, sem2, sem3):
        wid = lax.axis_index("s") * _NUM_CORES + lax.axis_index("c")
        base = wid * bpw
        c0 = pltpu.async_copy(cat_hbm.at[pl.ds(base, bpw)], idx_v, sem0)
        c1 = pltpu.async_copy(lr_hbm.at[pl.ds(base, bpw)], lr_v, sem1)
        c2 = pltpu.async_copy(s_hbm, s_v, sem2)
        c3 = pltpu.async_copy(ic_hbm, ic_v, sem3)
        c0.wait()
        c1.wait()
        c2.wait()
        c3.wait()
        for j in range(bpw // _LANES):
            sl = pl.ds(j * _LANES, _LANES)
            idx = idx_v[sl]
            s = plsc.load_gather(s_v, [idx])
            ic = plsc.load_gather(ic_v, [idx])
            o_v[sl] = jnp.exp(s * lr_v[sl] + ic)
        pltpu.sync_copy(o_v, out_hbm.at[pl.ds(base, bpw)])

    return body(cat, logr, slopes, icepts)


def kernel(category_id, segmentation, resolution, slopes, intercepts):
    seg = segmentation
    if seg.ndim == 4:
        seg = seg[:, 0]
    b, h, w = seg.shape
    seg_t = jnp.transpose(seg, (1, 2, 0))
    res2d = resolution.astype(jnp.float32).reshape(b // 128, 128)
    logr = _log_radius_tc(seg_t, res2d, h_blk=8)

    cat = category_id.astype(jnp.int32)
    return _finalize_sc(cat, logr.reshape(b), slopes.astype(jnp.float32),
                        intercepts.astype(jnp.float32))

# --- scband reference (transcript-rebuilt; emitter-appended) ---
"""Pipeline reference for scband-allometric-67800353735350 (READ-ONLY COPY).

The authoritative reference and input builder live on the scoring server;
editing this copy changes nothing except your own understanding.
"""

import jax, jax.numpy as jnp
import numpy as np
import math

B = 1024
H = 224
W = 224
NUM_CATEGORIES = 14

def setup_inputs(seed: int = 0) -> dict:
    key = jax.random.key(seed)
    k1, k2, k3, k4, k5 = jax.random.split(key, 5)
    category_id = jax.random.randint(k1, (B,), 0, NUM_CATEGORIES).astype(jnp.int64)
    # binary crown segmentation masks, stored as float32 like a torch mask tensor
    segmentation = (jax.random.uniform(k2, (B, H, W)) > 0.5).astype(jnp.float32)
    # per-sample ground resolution in meters/pixel (stand-in for meta[i]['resolution'])
    resolution = 0.05 + 0.1 * jax.random.uniform(k3, (B,), dtype=jnp.float32)
    # registry lookup tables: id -> (slope, intercept) for
    # relationship 'log_height_vs_log_crown_radius'
    slopes = 0.5 + 0.5 * jax.random.uniform(k4, (NUM_CATEGORIES,), dtype=jnp.float32)
    intercepts = 1.0 + jax.random.normal(k5, (NUM_CATEGORIES,), dtype=jnp.float32) * 0.2
    return {
        "category_id": category_id,
        "segmentation": segmentation,
        "resolution": resolution,
        "slopes": slopes,
        "intercepts": intercepts,
    }

def reference(category_id, segmentation, resolution, slopes, intercepts):
    # radius_determination == 'area_circle':
    # area (m^2) = (# mask pixels) * resolution^2; radius = sqrt(area / pi)
    seg = segmentation
    if seg.ndim == 4:  # (B, 1, H, W) -> (B, H, W)
        seg = seg[:, 0]
    pixel_count = jnp.sum(seg, axis=(-2, -1))
    area = pixel_count * (resolution ** 2)
    crown_radius = jnp.sqrt(area / math.pi)
    # registry.get_params: gather per-sample (slope, intercept) by category id
    s = jnp.take(slopes, category_id, axis=0)
    ic = jnp.take(intercepts, category_id, axis=0)
    # Height = exp(slope * log(crown_radius) + intercept)
    eps = 1e-6
    height = jnp.exp(s * jnp.log(jnp.maximum(crown_radius, eps)) + ic)
    return height

if __name__ == "__main__":
    import jax
    _d = setup_inputs()
    print(jax.jit(kernel)(*tuple(_d.values())))

</pallas_src>

<mosaic_0001>
#map = affine_map<(d0, d1) -> (0)>
module attributes {stable_mosaic.version = 14 : i64} {
  func.func @body(%arg0: i32, %arg1: i32, %arg2: memref<1024xi32, #tpu.memory_space<hbm>>, %arg3: memref<1024xf32, #tpu.memory_space<hbm>>, %arg4: memref<14xf32, #tpu.memory_space<hbm>>, %arg5: memref<14xf32, #tpu.memory_space<hbm>>, %arg6: memref<1024xf32, #tpu.memory_space<hbm>>, %arg7: memref<32xi32, #tpu.memory_space<vmem>>, %arg8: memref<32xf32, #tpu.memory_space<vmem>>, %arg9: memref<14xf32, #tpu.memory_space<vmem>>, %arg10: memref<14xf32, #tpu.memory_space<vmem>>, %arg11: memref<32xf32, #tpu.memory_space<vmem>>, %arg12: memref<!tpu.dma_semaphore, #tpu.memory_space<semaphore_mem>>, %arg13: memref<!tpu.dma_semaphore, #tpu.memory_space<semaphore_mem>>, %arg14: memref<!tpu.dma_semaphore, #tpu.memory_space<semaphore_mem>>, %arg15: memref<!tpu.dma_semaphore, #tpu.memory_space<semaphore_mem>>) attributes {dimension_semantics = [#tpu.dimension_semantics<core_parallel>, #tpu.dimension_semantics<subcore_parallel>], iteration_bounds = array<i64: 2, 16>, scalar_prefetch = 0 : i64, scratch_operands = 9 : i64, tpu.core_type = #tpu.core_type<sc_vector_subcore>, window_params = [{transform_indices = #map}, {transform_indices = #map}, {transform_indices = #map}, {transform_indices = #map}, {transform_indices = #map}]} {
    %mul3A = arith.constant 2 : i32
    %mul3A_0 = arith.muli %arg1, %mul3A : i32
    %add3A = arith.addi %mul3A_0, %arg0 : i32
    %mul3A_1 = arith.constant 32 : i32
    %mul3A_2 = arith.muli %add3A, %mul3A_1 : i32
    %dma_start3A = tpu.memref_slice %arg2[%mul3A_2] : memref<1024xi32, #tpu.memory_space<hbm>> -> memref<32xi32, #tpu.memory_space<hbm>>
    %dma_start3A_3 = tpu.memref_slice %arg2[%mul3A_2] : memref<1024xi32, #tpu.memory_space<hbm>> -> memref<32xi32, #tpu.memory_space<hbm>>
    tpu.enqueue_dma source(%dma_start3A_3 : memref<32xi32, #tpu.memory_space<hbm>>) target(%arg7 : memref<32xi32, #tpu.memory_space<vmem>>) target_semaphore(%arg12 : memref<!tpu.dma_semaphore, #tpu.memory_space<semaphore_mem>>)
    %dma_start3A_4 = tpu.memref_slice %arg3[%mul3A_2] : memref<1024xf32, #tpu.memory_space<hbm>> -> memref<32xf32, #tpu.memory_space<hbm>>
    %dma_start3A_5 = tpu.memref_slice %arg3[%mul3A_2] : memref<1024xf32, #tpu.memory_space<hbm>> -> memref<32xf32, #tpu.memory_space<hbm>>
    tpu.enqueue_dma source(%dma_start3A_5 : memref<32xf32, #tpu.memory_space<hbm>>) target(%arg8 : memref<32xf32, #tpu.memory_space<vmem>>) target_semaphore(%arg13 : memref<!tpu.dma_semaphore, #tpu.memory_space<semaphore_mem>>)
    tpu.enqueue_dma source(%arg4 : memref<14xf32, #tpu.memory_space<hbm>>) target(%arg9 : memref<14xf32, #tpu.memory_space<vmem>>) target_semaphore(%arg14 : memref<!tpu.dma_semaphore, #tpu.memory_space<semaphore_mem>>)
    tpu.enqueue_dma source(%arg5 : memref<14xf32, #tpu.memory_space<hbm>>) target(%arg10 : memref<14xf32, #tpu.memory_space<vmem>>) target_semaphore(%arg15 : memref<!tpu.dma_semaphore, #tpu.memory_space<semaphore_mem>>)
    %dma_wait3A = tpu.memref_slice %arg2[%mul3A_2] : memref<1024xi32, #tpu.memory_space<hbm>> -> memref<32xi32, #tpu.memory_space<hbm>>
    %dma_wait3A_6 = tpu.memref_slice %arg2[%mul3A_2] : memref<1024xi32, #tpu.memory_space<hbm>> -> memref<32xi32, #tpu.memory_space<hbm>>
    tpu.wait_dma2 semaphore(%arg12 : memref<!tpu.dma_semaphore, #tpu.memory_space<semaphore_mem>>) src(%dma_wait3A_6 : memref<32xi32, #tpu.memory_space<hbm>>) dst(%arg7 : memref<32xi32, #tpu.memory_space<vmem>>)
    %dma_wait3A_7 = tpu.memref_slice %arg3[%mul3A_2] : memref<1024xf32, #tpu.memory_space<hbm>> -> memref<32xf32, #tpu.memory_space<hbm>>
    %dma_wait3A_8 = tpu.memref_slice %arg3[%mul3A_2] : memref<1024xf32, #tpu.memory_space<hbm>> -> memref<32xf32, #tpu.memory_space<hbm>>
    tpu.wait_dma2 semaphore(%arg13 : memref<!tpu.dma_semaphore, #tpu.memory_space<semaphore_mem>>) src(%dma_wait3A_8 : memref<32xf32, #tpu.memory_space<hbm>>) dst(%arg8 : memref<32xf32, #tpu.memory_space<vmem>>)
    tpu.wait_dma2 semaphore(%arg14 : memref<!tpu.dma_semaphore, #tpu.memory_space<semaphore_mem>>) src(%arg4 : memref<14xf32, #tpu.memory_space<hbm>>) dst(%arg9 : memref<14xf32, #tpu.memory_space<vmem>>)
    tpu.wait_dma2 semaphore(%arg15 : memref<!tpu.dma_semaphore, #tpu.memory_space<semaphore_mem>>) src(%arg5 : memref<14xf32, #tpu.memory_space<hbm>>) dst(%arg10 : memref<14xf32, #tpu.memory_space<vmem>>)
    %get3A = arith.constant 0 : index
    %get3A_9 = tpu.vector_load %arg7[%get3A] {strides = array<i32>} : memref<32xi32, #tpu.memory_space<vmem>>, vector<16xi32>,
    %gather3A = tpu.vector_load_idx %arg9[%get3A_9] : memref<14xf32, #tpu.memory_space<vmem>>[vector<16xi32>], vector<16xf32>,
    %gather3A_10 = tpu.vector_load_idx %arg10[%get3A_9] : memref<14xf32, #tpu.memory_space<vmem>>[vector<16xi32>], vector<16xf32>,
    %get3A_11 = arith.constant 0 : index
    %get3A_12 = tpu.vector_load %arg8[%get3A_11] {strides = array<i32>} : memref<32xf32, #tpu.memory_space<vmem>>, vector<16xf32>,
    %mul3A_13 = arith.mulf %gather3A, %get3A_12 : vector<16xf32>
    %add3A_14 = arith.addf %mul3A_13, %gather3A_10 : vector<16xf32>
    %exp3A = math.exp %add3A_14 : vector<16xf32>
    %swap3A = arith.constant 0 : index
    %swap3A_15 = tpu.vector_load %arg11[%swap3A] {strides = array<i32>} : memref<32xf32, #tpu.memory_space<vmem>>, vector<16xf32>,
    tpu.vector_store %arg11[%swap3A], %exp3A {strides = array<i32>} : memref<32xf32, #tpu.memory_space<vmem>>, vector<16xf32>,
    %get3A_16 = arith.constant 16 : index
    %get3A_17 = tpu.vector_load %arg7[%get3A_16] {strides = array<i32>} : memref<32xi32, #tpu.memory_space<vmem>>, vector<16xi32>,
    %gather3A_18 = tpu.vector_load_idx %arg9[%get3A_17] : memref<14xf32, #tpu.memory_space<vmem>>[vector<16xi32>], vector<16xf32>,
    %gather3A_19 = tpu.vector_load_idx %arg10[%get3A_17] : memref<14xf32, #tpu.memory_space<vmem>>[vector<16xi32>], vector<16xf32>,
    %get3A_20 = arith.constant 16 : index
    %get3A_21 = tpu.vector_load %arg8[%get3A_20] {strides = array<i32>} : memref<32xf32, #tpu.memory_space<vmem>>, vector<16xf32>,
    %mul3A_22 = arith.mulf %gather3A_18, %get3A_21 : vector<16xf32>
    %add3A_23 = arith.addf %mul3A_22, %gather3A_19 : vector<16xf32>
    %exp3A_24 = math.exp %add3A_23 : vector<16xf32>
    %swap3A_25 = arith.constant 16 : index
    %swap3A_26 = tpu.vector_load %arg11[%swap3A_25] {strides = array<i32>} : memref<32xf32, #tpu.memory_space<vmem>>, vector<16xf32>,
    tpu.vector_store %arg11[%swap3A_25], %exp3A_24 {strides = array<i32>} : memref<32xf32, #tpu.memory_space<vmem>>, vector<16xf32>,
    "tpu.region"() ({
      %run_scoped3A = tpu.sem_alloc : memref<!tpu.dma_semaphore, #tpu.memory_space<semaphore_mem>>
      %dma_start3A_27 = tpu.memref_slice %arg6[%mul3A_2] : memref<1024xf32, #tpu.memory_space<hbm>> -> memref<32xf32, #tpu.memory_space<hbm>>
      %dma_start3A_28 = tpu.memref_slice %arg6[%mul3A_2] : memref<1024xf32, #tpu.memory_space<hbm>> -> memref<32xf32, #tpu.memory_space<hbm>>
      tpu.enqueue_dma source(%arg11 : memref<32xf32, #tpu.memory_space<vmem>>) target(%dma_start3A_28 : memref<32xf32, #tpu.memory_space<hbm>>) target_semaphore(%run_scoped3A : memref<!tpu.dma_semaphore, #tpu.memory_space<semaphore_mem>>)
      %dma_wait3A_29 = tpu.memref_slice %arg6[%mul3A_2] : memref<1024xf32, #tpu.memory_space<hbm>> -> memref<32xf32, #tpu.memory_space<hbm>>
      %dma_wait3A_30 = tpu.memref_slice %arg6[%mul3A_2] : memref<1024xf32, #tpu.memory_space<hbm>> -> memref<32xf32, #tpu.memory_space<hbm>>
      tpu.wait_dma2 semaphore(%run_scoped3A : memref<!tpu.dma_semaphore, #tpu.memory_space<semaphore_mem>>) src(%arg11 : memref<32xf32, #tpu.memory_space<vmem>>) dst(%dma_wait3A_30 : memref<32xf32, #tpu.memory_space<hbm>>)
      tpu.yield
    }) : () -> ()
    return
  }
}

module attributes {stable_mosaic.version = 14 : i64} {
  func.func @body(%arg0: i32, %arg1: memref<8x128xf32, #tpu.memory_space<vmem>>, %arg2: memref<8x224x1024xf32, #tpu.memory_space<vmem>>, %arg3: memref<8x128xf32, #tpu.memory_space<vmem>>, %arg4: memref<1x1024xf32, #tpu.memory_space<vmem>>) attributes {dimension_semantics = [#tpu.dimension_semantics<arbitrary>], iteration_bounds = array<i64: 28>, scalar_prefetch = 0 : i64, scratch_operands = 1 : i64, tpu.core_type = #tpu.core_type<tc>, window_params = [{pipeline_mode = #tpu.pipeline_mode<synchronous>, transform_indices = @transform_0, window_bounds = array<i64: 8, 128>}, {transform_indices = @transform_1, window_bounds = array<i64: 8, 224, 1024>}, {pipeline_mode = #tpu.pipeline_mode<synchronous>, transform_indices = @transform_2, window_bounds = array<i64: 8, 128>}]} {
    %get3A = arith.constant 0 : index
    %get3A_0 = arith.constant 0 : index
    %get3A_1 = arith.constant 0 : index
    %get3A_2 = vector.load %arg2[%get3A, %get3A_0, %get3A_1] : memref<8x224x1024xf32, #tpu.memory_space<vmem>>, vector<8x224x1024xf32>
    %reduce_sum3A = arith.constant dense<0.000000e+00> : vector<224x1024xf32>
    %reduce_sum3A_3 = vector.multi_reduction <add>, %get3A_2, %reduce_sum3A [0] : vector<8x224x1024xf32> to vector<224x1024xf32>
    %reduce_sum3A_4 = arith.constant dense<0.000000e+00> : vector<1024xf32>
    %reduce_sum3A_5 = vector.multi_reduction <add>, %reduce_sum3A_3, %reduce_sum3A_4 [0] : vector<224x1024xf32> to vector<1024xf32>
    %broadcast_in_dim3A = vector.shape_cast %reduce_sum3A_5 : vector<1024xf32> to vector<1x1024xf32>
    %eq3A = arith.constant 0 : i32
    %eq3A_6 = arith.cmpi eq, %arg0, %eq3A : i32
    %convert_element_type3A = arith.extui %eq3A_6 : i1 to i32
    %cond3A = arith.constant 0 : i32
    %cond3A_7 = arith.cmpi ne, %convert_element_type3A, %cond3A : i32
    scf.if %cond3A_7 {
      %broadcast_in_dim3A_18 = arith.constant 0.000000e+00 : f32
      %broadcast_in_dim3A_19 = vector.broadcast %broadcast_in_dim3A_18 : f32 to vector<1x1024xf32>
      %swap3A_20 = arith.constant 0 : index
      %swap3A_21 = arith.constant 0 : index
      %swap3A_22 = vector.load %arg4[%swap3A_20, %swap3A_21] : memref<1x1024xf32, #tpu.memory_space<vmem>>, vector<1x1024xf32>
      tpu.vector_store %arg4[%swap3A_20, %swap3A_21], %broadcast_in_dim3A_19 {strides = array<i32>} : memref<1x1024xf32, #tpu.memory_space<vmem>>, vector<1x1024xf32>,
    } else {
    }
    %get3A_8 = arith.constant 0 : index
    %get3A_9 = arith.constant 0 : index
    %get3A_10 = vector.load %arg4[%get3A_8, %get3A_9] : memref<1x1024xf32, #tpu.memory_space<vmem>>, vector<1x1024xf32>
    %add3A = arith.addf %get3A_10, %broadcast_in_dim3A : vector<1x1024xf32>
    %swap3A = arith.constant 0 : index
    %swap3A_11 = arith.constant 0 : index
    %swap3A_12 = vector.load %arg4[%swap3A, %swap3A_11] : memref<1x1024xf32, #tpu.memory_space<vmem>>, vector<1x1024xf32>
    tpu.vector_store %arg4[%swap3A, %swap3A_11], %add3A {strides = array<i32>} : memref<1x1024xf32, #tpu.memory_space<vmem>>, vector<1x1024xf32>,
    %eq3A_13 = arith.constant 27 : i32
    %eq3A_14 = arith.cmpi eq, %arg0, %eq3A_13 : i32
    %convert_element_type3A_15 = arith.extui %eq3A_14 : i1 to i32
    %cond3A_16 = arith.constant 0 : i32
    %cond3A_17 = arith.cmpi ne, %convert_element_type3A_15, %cond3A_16 : i32
    scf.if %cond3A_17 {
      %get3A_18 = arith.constant 0 : index
      %get3A_19 = arith.constant 0 : index
      %get3A_20 = vector.load %arg4[%get3A_18, %get3A_19] : memref<1x1024xf32, #tpu.memory_space<vmem>>, vector<1x128xf32>
      %get3A_21 = arith.constant 0 : index
      %get3A_22 = arith.constant 0 : index
      %get3A_23 = vector.load %arg1[%get3A_21, %get3A_22] : memref<8x128xf32, #tpu.memory_space<vmem>>, vector<1x128xf32>
      %mul3A = arith.mulf %get3A_20, %get3A_23 : vector<1x128xf32>
      %mul3A_24 = arith.mulf %mul3A, %get3A_23 : vector<1x128xf32>
      %mul3A_25 = arith.constant 0.318309873 : f32
      %mul3A_26 = vector.broadcast %mul3A_25 : f32 to vector<1x128xf32>
      %mul3A_27 = arith.mulf %mul3A_24, %mul3A_26 : vector<1x128xf32>
      %sqrt3A = math.sqrt %mul3A_27 : vector<1x128xf32>
      %max3A = arith.constant 9.99999997E-7 : f32
      %max3A_28 = vector.broadcast %max3A : f32 to vector<1x128xf32>
      %max3A_29 = arith.maximumf %sqrt3A, %max3A_28 : vector<1x128xf32>
      %log3A = math.log %max3A_29 : vector<1x128xf32>
      %swap3A_30 = arith.constant 0 : index
      %swap3A_31 = arith.constant 0 : index
      %swap3A_32 = vector.load %arg3[%swap3A_30, %swap3A_31] : memref<8x128xf32, #tpu.memory_space<vmem>>, vector<1x128xf32>
      tpu.vector_store %arg3[%swap3A_30, %swap3A_31], %log3A {strides = array<i32>} : memref<8x128xf32, #tpu.memory_space<vmem>>, vector<1x128xf32>,
      %get3A_33 = arith.constant 0 : index
      %get3A_34 = arith.constant 128 : index
      %get3A_35 = vector.load %arg4[%get3A_33, %get3A_34] : memref<1x1024xf32, #tpu.memory_space<vmem>>, vector<1x128xf32>
      %get3A_36 = arith.constant 1 : index
      %get3A_37 = arith.constant 0 : index
      %get3A_38 = vector.load %arg1[%get3A_36, %get3A_37] : memref<8x128xf32, #tpu.memory_space<vmem>>, vector<1x128xf32>
      %mul3A_39 = arith.mulf %get3A_35, %get3A_38 : vector<1x128xf32>
      %mul3A_40 = arith.mulf %mul3A_39, %get3A_38 : vector<1x128xf32>
      %mul3A_41 = arith.constant 0.318309873 : f32
      %mul3A_42 = vector.broadcast %mul3A_41 : f32 to vector<1x128xf32>
      %mul3A_43 = arith.mulf %mul3A_40, %mul3A_42 : vector<1x128xf32>
      %sqrt3A_44 = math.sqrt %mul3A_43 : vector<1x128xf32>
      %max3A_45 = arith.constant 9.99999997E-7 : f32
      %max3A_46 = vector.broadcast %max3A_45 : f32 to vector<1x128xf32>
      %max3A_47 = arith.maximumf %sqrt3A_44, %max3A_46 : vector<1x128xf32>
      %log3A_48 = math.log %max3A_47 : vector<1x128xf32>
      %swap3A_49 = arith.constant 1 : index
      %swap3A_50 = arith.constant 0 : index
      %swap3A_51 = vector.load %arg3[%swap3A_49, %swap3A_50] : memref<8x128xf32, #tpu.memory_space<vmem>>, vector<1x128xf32>
      tpu.vector_store %arg3[%swap3A_49, %swap3A_50], %log3A_48 {strides = array<i32>} : memref<8x128xf32, #tpu.memory_space<vmem>>, vector<1x128xf32>,
      %get3A_52 = arith.constant 0 : index
      %get3A_53 = arith.constant 256 : index
      %get3A_54 = vector.load %arg4[%get3A_52, %get3A_53] : memref<1x1024xf32, #tpu.memory_space<vmem>>, vector<1x128xf32>
      %get3A_55 = arith.constant 2 : index
      %get3A_56 = arith.constant 0 : index
      %get3A_57 = vector.load %arg1[%get3A_55, %get3A_56] : memref<8x128xf32, #tpu.memory_space<vmem>>, vector<1x128xf32>
      %mul3A_58 = arith.mulf %get3A_54, %get3A_57 : vector<1x128xf32>
      %mul3A_59 = arith.mulf %mul3A_58, %get3A_57 : vector<1x128xf32>
      %mul3A_60 = arith.constant 0.318309873 : f32
      %mul3A_61 = vector.broadcast %mul3A_60 : f32 to vector<1x128xf32>
      %mul3A_62 = arith.mulf %mul3A_59, %mul3A_61 : vector<1x128xf32>
      %sqrt3A_63 = math.sqrt %mul3A_62 : vector<1x128xf32>
      %max3A_64 = arith.constant 9.99999997E-7 : f32
      %max3A_65 = vector.broadcast %max3A_64 : f32 to vector<1x128xf32>
      %max3A_66 = arith.maximumf %sqrt3A_63, %max3A_65 : vector<1x128xf32>
      %log3A_67 = math.log %max3A_66 : vector<1x128xf32>
      %swap3A_68 = arith.constant 2 : index
      %swap3A_69 = arith.constant 0 : index
      %swap3A_70 = vector.load %arg3[%swap3A_68, %swap3A_69] : memref<8x128xf32, #tpu.memory_space<vmem>>, vector<1x128xf32>
      tpu.vector_store %arg3[%swap3A_68, %swap3A_69], %log3A_67 {strides = array<i32>} : memref<8x128xf32, #tpu.memory_space<vmem>>, vector<1x128xf32>,
      %get3A_71 = arith.constant 0 : index
      %get3A_72 = arith.constant 384 : index
      %get3A_73 = vector.load %arg4[%get3A_71, %get3A_72] : memref<1x1024xf32, #tpu.memory_space<vmem>>, vector<1x128xf32>
      %get3A_74 = arith.constant 3 : index
      %get3A_75 = arith.constant 0 : index
      %get3A_76 = vector.load %arg1[%get3A_74, %get3A_75] : memref<8x128xf32, #tpu.memory_space<vmem>>, vector<1x128xf32>
      %mul3A_77 = arith.mulf %get3A_73, %get3A_76 : vector<1x128xf32>
      %mul3A_78 = arith.mulf %mul3A_77, %get3A_76 : vector<1x128xf32>
      %mul3A_79 = arith.constant 0.318309873 : f32
      %mul3A_80 = vector.broadcast %mul3A_79 : f32 to vector<1x128xf32>
      %mul3A_81 = arith.mulf %mul3A_78, %mul3A_80 : vector<1x128xf32>
      %sqrt3A_82 = math.sqrt %mul3A_81 : vector<1x128xf32>
      %max3A_83 = arith.constant 9.99999997E-7 : f32
      %max3A_84 = vector.broadcast %max3A_83 : f32 to vector<1x128xf32>
      %max3A_85 = arith.maximumf %sqrt3A_82, %max3A_84 : vector<1x128xf32>
      %log3A_86 = math.log %max3A_85 : vector<1x128xf32>
      %swap3A_87 = arith.constant 3 : index
      %swap3A_88 = arith.constant 0 : index
      %swap3A_89 = vector.load %arg3[%swap3A_87, %swap3A_88] : memref<8x128xf32, #tpu.memory_space<vmem>>, vector<1x128xf32>
      tpu.vector_store %arg3[%swap3A_87, %swap3A_88], %log3A_86 {strides = array<i32>} : memref<8x128xf32, #tpu.memory_space<vmem>>, vector<1x128xf32>,
      %get3A_90 = arith.constant 0 : index
      %get3A_91 = arith.constant 512 : index
      %get3A_92 = vector.load %arg4[%get3A_90, %get3A_91] : memref<1x1024xf32, #tpu.memory_space<vmem>>, vector<1x128xf32>
      %get3A_93 = arith.constant 4 : index
      %get3A_94 = arith.constant 0 : index
      %get3A_95 = vector.load %arg1[%get3A_93, %get3A_94] : memref<8x128xf32, #tpu.memory_space<vmem>>, vector<1x128xf32>
      %mul3A_96 = arith.mulf %get3A_92, %get3A_95 : vector<1x128xf32>
      %mul3A_97 = arith.mulf %mul3A_96, %get3A_95 : vector<1x128xf32>
      %mul3A_98 = arith.constant 0.318309873 : f32
      %mul3A_99 = vector.broadcast %mul3A_98 : f32 to vector<1x128xf32>
      %mul3A_100 = arith.mulf %mul3A_97, %mul3A_99 : vector<1x128xf32>
      %sqrt3A_101 = math.sqrt %mul3A_100 : vector<1x128xf32>
      %max3A_102 = arith.constant 9.99999997E-7 : f32
      %max3A_103 = vector.broadcast %max3A_102 : f32 to vector<1x128xf32>
      %max3A_104 = arith.maximumf %sqrt3A_101, %max3A_103 : vector<1x128xf32>
      %log3A_105 = math.log %max3A_104 : vector<1x128xf32>
      %swap3A_106 = arith.constant 4 : index
      %swap3A_107 = arith.constant 0 : index
      %swap3A_108 = vector.load %arg3[%swap3A_106, %swap3A_107] : memref<8x128xf32, #tpu.memory_space<vmem>>, vector<1x128xf32>
      tpu.vector_store %arg3[%swap3A_106, %swap3A_107], %log3A_105 {strides = array<i32>} : memref<8x128xf32, #tpu.memory_space<vmem>>, vector<1x128xf32>,
      %get3A_109 = arith.constant 0 : index
      %get3A_110 = arith.constant 640 : index
      %get3A_111 = vector.load %arg4[%get3A_109, %get3A_110] : memref<1x1024xf32, #tpu.memory_space<vmem>>, vector<1x128xf32>
      %get3A_112 = arith.constant 5 : index
      %get3A_113 = arith.constant 0 : index
      %get3A_114 = vector.load %arg1[%get3A_112, %get3A_113] : memref<8x128xf32, #tpu.memory_space<vmem>>, vector<1x128xf32>
      %mul3A_115 = arith.mulf %get3A_111, %get3A_114 : vector<1x128xf32>
      %mul3A_116 = arith.mulf %mul3A_115, %get3A_114 : vector<1x128xf32>
      %mul3A_117 = arith.constant 0.318309873 : f32
      %mul3A_118 = vector.broadcast %mul3A_117 : f32 to vector<1x128xf32>
      %mul3A_119 = arith.mulf %mul3A_116, %mul3A_118 : vector<1x128xf32>
      %sqrt3A_120 = math.sqrt %mul3A_119 : vector<1x128xf32>
      %max3A_121 = arith.constant 9.99999997E-7 : f32
      %max3A_122 = vector.broadcast %max3A_121 : f32 to vector<1x128xf32>
      %max3A_123 = arith.maximumf %sqrt3A_120, %max3A_122 : vector<1x128xf32>
      %log3A_124 = math.log %max3A_123 : vector<1x128xf32>
      %swap3A_125 = arith.constant 5 : index
      %swap3A_126 = arith.constant 0 : index
      %swap3A_127 = vector.load %arg3[%swap3A_125, %swap3A_126] : memref<8x128xf32, #tpu.memory_space<vmem>>, vector<1x128xf32>
      tpu.vector_store %arg3[%swap3A_125, %swap3A_126], %log3A_124 {strides = array<i32>} : memref<8x128xf32, #tpu.memory_space<vmem>>, vector<1x128xf32>,
      %get3A_128 = arith.constant 0 : index
      %get3A_129 = arith.constant 768 : index
      %get3A_130 = vector.load %arg4[%get3A_128, %get3A_129] : memref<1x1024xf32, #tpu.memory_space<vmem>>, vector<1x128xf32>
      %get3A_131 = arith.constant 6 : index
      %get3A_132 = arith.constant 0 : index
      %get3A_133 = vector.load %arg1[%get3A_131, %get3A_132] : memref<8x128xf32, #tpu.memory_space<vmem>>, vector<1x128xf32>
      %mul3A_134 = arith.mulf %get3A_130, %get3A_133 : vector<1x128xf32>
      %mul3A_135 = arith.mulf %mul3A_134, %get3A_133 : vector<1x128xf32>
      %mul3A_136 = arith.constant 0.318309873 : f32
      %mul3A_137 = vector.broadcast %mul3A_136 : f32 to vector<1x128xf32>
      %mul3A_138 = arith.mulf %mul3A_135, %mul3A_137 : vector<1x128xf32>
      %sqrt3A_139 = math.sqrt %mul3A_138 : vector<1x128xf32>
      %max3A_140 = arith.constant 9.99999997E-7 : f32
      %max3A_141 = vector.broadcast %max3A_140 : f32 to vector<1x128xf32>
      %max3A_142 = arith.maximumf %sqrt3A_139, %max3A_141 : vector<1x128xf32>
      %log3A_143 = math.log %max3A_142 : vector<1x128xf32>
      %swap3A_144 = arith.constant 6 : index
      %swap3A_145 = arith.constant 0 : index
      %swap3A_146 = vector.load %arg3[%swap3A_144, %swap3A_145] : memref<8x128xf32, #tpu.memory_space<vmem>>, vector<1x128xf32>
      tpu.vector_store %arg3[%swap3A_144, %swap3A_145], %log3A_143 {strides = array<i32>} : memref<8x128xf32, #tpu.memory_space<vmem>>, vector<1x128xf32>,
      %get3A_147 = arith.constant 0 : index
      %get3A_148 = arith.constant 896 : index
      %get3A_149 = vector.load %arg4[%get3A_147, %get3A_148] : memref<1x1024xf32, #tpu.memory_space<vmem>>, vector<1x128xf32>
      %get3A_150 = arith.constant 7 : index
      %get3A_151 = arith.constant 0 : index
      %get3A_152 = vector.load %arg1[%get3A_150, %get3A_151] : memref<8x128xf32, #tpu.memory_space<vmem>>, vector<1x128xf32>
      %mul3A_153 = arith.mulf %get3A_149, %get3A_152 : vector<1x128xf32>
      %mul3A_154 = arith.mulf %mul3A_153, %get3A_152 : vector<1x128xf32>
      %mul3A_155 = arith.constant 0.318309873 : f32
      %mul3A_156 = vector.broadcast %mul3A_155 : f32 to vector<1x128xf32>
      %mul3A_157 = arith.mulf %mul3A_154, %mul3A_156 : vector<1x128xf32>
      %sqrt3A_158 = math.sqrt %mul3A_157 : vector<1x128xf32>
      %max3A_159 = arith.constant 9.99999997E-7 : f32
      %max3A_160 = vector.broadcast %max3A_159 : f32 to vector<1x128xf32>
      %max3A_161 = arith.maximumf %sqrt3A_158, %max3A_160 : vector<1x128xf32>
      %log3A_162 = math.log %max3A_161 : vector<1x128xf32>
      %swap3A_163 = arith.constant 7 : index
      %swap3A_164 = arith.constant 0 : index
      %swap3A_165 = vector.load %arg3[%swap3A_163, %swap3A_164] : memref<8x128xf32, #tpu.memory_space<vmem>>, vector<1x128xf32>
      tpu.vector_store %arg3[%swap3A_163, %swap3A_164], %log3A_162 {strides = array<i32>} : memref<8x128xf32, #tpu.memory_space<vmem>>, vector<1x128xf32>,
    } else {
    }
    return
  }
  func.func @transform_0(%arg0: i32) -> (i32, i32) {
    %c0_i32 = arith.constant 0 : i32
    %c0_i32_0 = arith.constant 0 : i32
    %c0_i32_1 = arith.constant 0 : i32
    return %c0_i32, %c0_i32_0 : i32, i32
  }
  func.func @transform_1(%arg0: i32) -> (i32, i32, i32) {
    %c0_i32 = arith.constant 0 : i32
    %c0_i32_0 = arith.constant 0 : i32
    %c0_i32_1 = arith.constant 0 : i32
    return %arg0, %c0_i32, %c0_i32_0 : i32, i32, i32
  }
  func.func @transform_2(%arg0: i32) -> (i32, i32) {
    %c0_i32 = arith.constant 0 : i32
    %c0_i32_0 = arith.constant 0 : i32
    %c0_i32_1 = arith.constant 0 : i32
    return %c0_i32, %c0_i32_0 : i32, i32
  }
}

</mosaic_0001>

<sc_bundles>
// kernel: kernel.4.cloned.1.call-start
scs
__scs_entry_jumppad:
0x0: {  	(pc) =	sbr.rel $0x88, $3  }
0x1: {  	(tag) =	ssettag $0x0;
	lr =	simm.s32 $0x1  }
0x2: {  	[smem:$0x3F9C] =	sst lr;
	_ =	strace $0xD0000000  }
0x3: {  	_ = 	snop  }
0x4: {  	_ = 	snop  }
0x5: {  	_ = 	snop  }
0x6: {  	_ = 	snop  }
0x7: {  	_ = 	snop  }
__scs_overlays_trampoline_lowered:
0x8: {  	[smem:$0x3FAB] =	sst s0  }
0x9: {  	[smem:$0x3FAC] =	sst s1  }
0xa: {  	[smem:$0x3FAD] =	sst s2  }
0xb: {  	[smem:$0x3FAE] =	sst s3  }
0xc: {  	[smem:$0x3FAF] =	sst s4  }
0xd: {  	[smem:$0x3FB0] =	sst s5  }
0xe: {  	[smem:$0x3FB1] =	sst s6  }
0xf: {  	[smem:$0x3FB2] =	sst s7  }
0x10: {  	[smem:$0x3FB3] =	sst s8  }
0x11: {  	[smem:$0x3FB4] =	sst s9;
	s0 =	simm.s32 @!p0 $0x0  }
0x12: {  	s1 =	sld [smem:$0x3F9A];
	s0 =	simm.s32 @p0 $0x1  }
0x13: {  	[smem:$0x3FB5] =	sst s0;
	s0 =	simm.s32 @!p1 $0x0  }
0x14: {  	s2 =	sld [smem:$0x3F99];
	s0 =	simm.s32 @p1 $0x1  }
0x15: {  	[smem:$0x3FB6] =	sst s0;
	s0 =	simm.s32 @!p2 $0x0  }
0x16: {  	s3 =	sld [smem:$0x3FDB];
	s0 =	simm.s32 @p2 $0x1  }
0x17: {  	s4 =	simm.s32 $0x1BF5;
	[smem:$0x3FB8] =	sst s0  }
0x18: {  	s0 =	sld [smem:$0x3F9B];
	_ =	swait.ge [sflag:s4], $0x0  }
0x19: {  	s7 =	sld [smem:$0x3F9C]  }
0x1a: {  	s8 =	sadd.s32 $0xFFFFE003, lr  }
0x1b: {  	s9 =	sadd.s32 $0xFFFFFEF7, lr;
	s5 =	simm.s32 $0xFFFFFFFF;
	p2 =	slt.u32 s8, $0xFFFFF086  }
0x1c: {  	p1 =	slt.u32 s9, $0xF7A;
	s5 =	simm.s32 @!p2 $0x0  }
0x1d: {  	s5 =	simm.s32 @p1 $0x1;
	p0 =	seq.s32 s7, s2  }
0x1e: {  	s7 =	smul.u32 @!p0 $0xF7A, s2;
	p2 =	seq.s32 @!p0 s5, $0x0  }
0x1f: {  	s9 =	smul.u32 $0xF7A, s1;
	s8 =	simm.s32 @!p0 $0x1BF5;
	p2 =	por !p2, p0  }
0x20: {  	[sflag:s8] =	ssyncset.s32 @!p0 $0xFFFFF086;
	s6 =	sadd.s32 @!p0 s3, s7;
	s7 =	simm.s32 @!p0 $0x108  }
0x21: {  	s3 =	sadd.s32 s3, s9;
	s6 =	sadd.s32 @!p0 $0x88, s6;
	s7 =	simm.s32 @p2 $0x1082  }
0x22: {  	[simem:s7], [sflag:s8] =	dma.local @!p0 [hbm:s6], $0xF7A  }
0x23: {  	s9 =	sor.u32 $0xD0000000, s2;
	s6 =	simm.s32 $0x108;
	_ =	swait.ge @!p0 [sflag:s8], $0x0  }
0x24: {  	s3 =	sadd.s32 $0x88, s3;
	s6 =	simm.s32 @!p1 $0x1082;
	[sflag:s4] =	ssyncset.s32 $0xFFFFF086  }
0x25: {  	[simem:s6], [sflag:s4] =	dma.local [hbm:s3], $0xF7A  }
0x26: {  	[smem:$0x3F9C] =	sst s1;
	(tag) =	ssettag s2;
	_ =	strace s9  }
0x27: {  	s1 =	sld [smem:$0x3FAC]  }
0x28: {  	s2 =	sld [smem:$0x3FAD]  }
0x29: {  	s4 =	sld [smem:$0x3FAF]  }
0x2a: {  	p0 =	seq.s32 s5, $0x0;
	s5 =	sld [smem:$0x3FB0]  }
0x2b: {  	s6 =	sld [smem:$0x3FB1]  }
0x2c: {  	s7 =	sld [smem:$0x3FB2]  }
0x2d: {  	s3 =	simm.s32 $0x108;
	s8 =	sld [smem:$0x3FB3]  }
0x2e: {  	s3 =	simm.s32 @!p0 $0x1082;
	s9 =	sld [smem:$0x3FB4]  }
0x2f: {  	lr =	sadd.s32 s0, s3;
	s0 =	sld [smem:$0x3FAB]  }
0x30: {  	s3 =	sld [smem:$0x3FAE]  }
0x31: {  	[smem:$0x3FB7] =	sst s10  }
0x32: {  	s10 =	sld [smem:$0x3FB5];
	_ =	sdelay $0x3  }
0x33: {  	p0 =	seq.s32 s10, $0x1;
	s10 =	sld [smem:$0x3FB7];
	_ =	sdelay $0x3  }
0x34: {  	[smem:$0x3FB7] =	sst s10  }
0x35: {  	s10 =	sld [smem:$0x3FB6];
	_ =	sdelay $0x3  }
0x36: {  	p1 =	seq.s32 s10, $0x1;
	s10 =	sld [smem:$0x3FB7];
	_ =	sdelay $0x3  }
0x37: {  	[smem:$0x3FB7] =	sst s10  }
0x38: {  	s10 =	sld [smem:$0x3FB8]  }
0x39: {  	_ = 	snop;
	(pc) =	sbr.ind lr, $3  }
0x3a: {  	_ = 	snop  }
0x3b: {  	_ = 	snop  }
0x3c: {  	p2 =	seq.s32 s10, $0x1;
	s10 =	sld [smem:$0x3FB7]  }
0x3d: {  	_ =	shalt  }
0x3e: {  	_ =	shalt  }
0x3f: {  	_ =	shalt  }
0x40: {  	_ =	shalt  }
0x41: {  	_ =	shalt  }
0x42: {  	_ =	shalt  }
0x43: {  	_ =	shalt  }
0x44: {  	_ =	shalt  }
0x45: {  	_ =	shalt  }
0x46: {  	_ =	shalt  }
0x47: {  	_ =	shalt  }
0x48: {  	_ =	shalt  }
0x49: {  	_ =	shalt  }
0x4a: {  	_ =	shalt  }
0x4b: {  	_ =	shalt  }
0x4c: {  	_ =	shalt  }
0x4d: {  	_ =	shalt  }
0x4e: {  	_ =	shalt  }
0x4f: {  	_ =	shalt  }
0x50: {  	_ =	shalt  }
0x51: {  	_ =	shalt  }
0x52: {  	_ =	shalt  }
0x53: {  	_ =	shalt  }
0x54: {  	_ =	shalt  }
0x55: {  	_ =	shalt  }
0x56: {  	_ =	shalt  }
0x57: {  	_ =	shalt  }
0x58: {  	_ =	shalt  }
0x59: {  	_ =	shalt  }
0x5a: {  	_ =	shalt  }
0x5b: {  	_ =	shalt  }
0x5c: {  	_ =	shalt  }
0x5d: {  	_ =	shalt  }
0x5e: {  	_ =	shalt  }
0x5f: {  	_ =	shalt  }
0x60: {  	_ =	shalt  }
0x61: {  	_ =	shalt  }
0x62: {  	_ =	shalt  }
0x63: {  	_ =	shalt  }
0x64: {  	_ =	shalt  }
0x65: {  	_ =	shalt  }
0x66: {  	_ =	shalt  }
0x67: {  	_ =	shalt  }
0x68: {  	_ =	shalt  }
0x69: {  	_ =	shalt  }
0x6a: {  	_ =	shalt  }
0x6b: {  	_ =	shalt  }
0x6c: {  	_ =	shalt  }
0x6d: {  	_ =	shalt  }
0x6e: {  	_ =	shalt  }
0x6f: {  	_ =	shalt  }
0x70: {  	_ =	shalt  }
0x71: {  	_ =	shalt  }
0x72: {  	_ =	shalt  }
0x73: {  	_ =	shalt  }
0x74: {  	_ =	shalt  }
0x75: {  	_ =	shalt  }
0x76: {  	_ =	shalt  }
0x77: {  	_ =	shalt  }
0x78: {  	_ =	shalt  }
0x79: {  	_ =	shalt  }
0x7a: {  	_ =	shalt  }
0x7b: {  	_ =	shalt  }
0x7c: {  	_ =	shalt  }
0x7d: {  	_ =	shalt  }
0x7e: {  	_ =	shalt  }
0x7f: {  	_ =	shalt  }
0x80: {  	_ =	shalt  }
0x81: {  	_ =	shalt  }
0x82: {  	_ =	shalt  }
0x83: {  	_ =	shalt  }
0x84: {  	_ =	shalt  }
0x85: {  	_ =	shalt  }
0x86: {  	_ =	shalt  }
0x87: {  	_ =	shalt  }
.Lfunc_end0:
.L_simem_size_0:
called_computation_lowered:
.L_overlay_start_0:
0x88: {  	s2 =	sld [smem:$0x3FD9]  }
0x89: {  	s3 =	sld [smem:$0x3FFE];
	_ =	sdelay $0x1  }
0x8a: {  	s1 =	srdreg.scid  }
0x8b: {  	s0 =	sand.u32 $0x1, s1  }
0x8c: {  	s17 =	sshll.u32 s0, $0xA;
	s2 =	sadd.s32 s3, s2  }
0x8d: {  	s2 =	sadd.s32 s2, s17  }
0x8e: {  	[smem:$0x3FC3] =	sst s2  }
0x8f: {  	_ = 	snop  }
0x90: {  	s2 =	sld [smem:$0x3FC9]  }
0x91: {  	s18 =	sld [smem:$0x3FC6]  }
0x92: {  	s4 =	sld [smem:$0x3FC5]  }
0x93: {  	s5 =	sld [smem:$0x3FD0];
	(tm) =	ssettm $0x1  }
0x94: {  	s6 =	sld [smem:$0x3FFB];
	_ =	sdelay $0x3  }
0x95: {  	_ =	strace s6  }
0x96: {  	s6 =	sld [smem:$0x3FFC];
	_ =	sdelay $0x3  }
0x97: {  	_ =	strace s6  }
0x98: {  	s6 =	sld [smem:$0x3FFD];
	_ =	sdelay $0x3  }
0x99: {  	_ =	strace s6  }
0x9a: {  	_ =	strace $0x8FFFFFFF  }
0x9b: {  	s19 =	sld [smem:$0x3FDB];
	_ =	sdelay $0x1  }
0x9c: {  	s7 =	simm.s32 $_scs_section_size  }
0x9d: {  	s8 =	simm.s32 $_size__tile_overlayer_lowered;
	s9 =	simm.s32 $_tile_overlayer_lowered  }
0x9e: {  	s22 =	simm.s32 $0x1BFF;
	s21 =	sshll.u32 s9, $0x1;
	s6 =	sadd.s32 s7, s19  }
0x9f: {  	s10 =	simm.s32 $0x0;
	s20 =	sshll.u32 s8, $0x1;
	s8 =	sadd.s32 s21, s6  }
0xa0: {  	[timem:s10], [sflag:s22] =	dma.local [hbm:s8], s20  }
0xa1: {  	_ =	swait.ge [sflag:s22], s20  }
0xa2: {  	s7 =	ssub.s32 $0x0, s20;
	[sflag:s22] =	ssyncset.done $0x0  }
0xa3: {  	[sflag:s22] =	ssyncadd.s32 s7;
	_ =	sdelay $0x1  }
0xa4: {  	s23 =	simm.s32 $0x1B8B  }
0xa5: {  	_ =	swait.ge [sflag:s23], $0x1  }
0xa6: {  	[sflag:s23] =	ssyncset.done $0x0  }
0xa7: {  	s25 =	simm.s32 $0x1B8E;
	s24 =	sld [smem:$0x3FFE];
	[sflag:s23] =	ssyncadd.s32 $0xFFFFFFFF  }
0xa8: {  	s26 =	simm.s32 $execute0_lowered;
	[smem:$0x3FD2] =	sst s25  }
0xa9: {  	s8 =	sshll.u32 s26, $0x1;
	_ =	strace $0x80000046;
	[dreg:$0x1] =	wrdreg $0xFFFFFFFF  }
0xaa: {  	s28 =	simm.s32 $_size_execute0_lowered;
	s6 =	sadd.s32 s6, s8;
	[dreg:$0x0] =	wrdreg $0x0  }
0xab: {  	s8 =	sshll.u32 s28, $0x1;
	[dreg:$0x2] =	wrdreg s6  }
0xac: {  	[dreg:$0x3] =	wrdreg s8  }
0xad: {  	[dreg:$0x4] =	wrdreg $0xC0  }
0xae: {  	_ =	task [dreg:s10], $0x5FFFF  }
0xaf: {  	[dreg:$0x1] =	wrdreg $0xFFFFFFFF  }
0xb0: {  	[dreg:$0x0] =	wrdreg $0x60  }
0xb1: {  	[dreg:$0x2] =	wrdreg s2  }
0xb2: {  	[dreg:$0x3] =	wrdreg s24  }
0xb3: {  	[dreg:$0x4] =	wrdreg s18  }
0xb4: {  	[dreg:$0x5] =	wrdreg s4  }
0xb5: {  	[dreg:$0x6] =	wrdreg s5  }
0xb6: {  	[dreg:$0x7] =	wrdreg $0x9  }
0xb7: {  	_ =	task.clear_ibuf [dreg:s10], $0x8FFFF;
	_ =	strace $0x90000046  }
0xb8: {  	s29 =	simm.s32 $0x9;
	_ =	strace $0x80000048  }
0xb9: {  	_ =	swait.ge [sflag:s29], $0x1  }
0xba: {  	[sflag:s29] =	ssyncadd.s32 $0xFFFFFFFF  }
0xbb: {  	_ =	strace $0x90000048  }
0xbc: {  	_ =	sfence  }
0xbd: {  	s30 =	sld [smem:$0x0];
	_ =	sdelay $0x2  }
0xbe: {  	s31 =	sshll.u32 s1, $0xD;
	s1 =	sshrl.u32 s1, $0x2  }
0xbf: {  	s3 =	sand.u32 $0x4000, s31;
	s1 =	sadd.s32 s1, s30  }
0xc0: {  	s0 =	sor.u32 s3, s0;
	s1 =	sshll.u32 s1, $0x11  }
0xc1: {  	s0 =	sor.u32 s1, s0  }
0xc2: {  	s0 =	sadd.s32 $0x8F2B, s0  }
0xc3: {  	[sflag:s0] =	ssyncadd.remote.s32 $0x1  }
0xc4: {  	_ =	sfence.sel $0xFFFF  }
0xc5: {  	[dreg:$0x0] =	wrdreg $0xFFFFFFFF;
	(pc) =	sbr.abs _section_cstart, $3  }
0xc6: {  	[dreg:$0x1] =	wrdreg $0xFFFFFFFF  }
0xc7: {  	_ =	task.clear_ibuf [dreg:s10], $0x2FFFF;
	_ =	strace $0x9FFFFFFF  }
0xc8: {  	(tm) =	ssettm $0x7FFFFFFF  }
0xc9: {  	_ =	shalt  }
tec
execute0_lowered:
.L_overlay_start_1:
0x0: {  	(tag) =	ssettag $0x1  }
0x1: {  	s5 =	rddreg [dreg:$0x0]  }
0x2: {  	s6 =	rddreg [dreg:$0x1]  }
0x3: {  	s2 =	rddreg [dreg:$0x2]  }
0x4: {  	s3 =	rddreg [dreg:$0x3]  }
0x5: {  	s14 =	rddreg [dreg:$0x4];
	s4 =	srdreg.scid  }
0x6: {  	s0 =	rddreg [dreg:$0x5];
	s1 =	stileid.u32;
	s15 =	sand.u32 $0x1, s4  }
0x7: {  	s4 =	simm.s32 $0x0;
	s7 =	sshll.u32 s1, $0x3;
	s8 =	sshll.u32 s15, $0x2  }
0x8: {  	[smem:$0x7FF] =	sst s4;
	s16 =	sor.u32 s8, s7  }
0x9: {  	_ =	strace $0x80000047;
	s6 =	sadd.s32 s16, s6;
	s5 =	sadd.s32 s5, s16  }
0xa: {  	[tilespmem:s4], [sflag:$0x1] =	stream.linear.gather [hbm4b:s5+s4], $0x20, $0x38;
	[tilespmem:$0x280] =	vst v63  }
0xb: {  	s7 =	simm.s32 $0x80;
	s6 =	sadd.s32 $0x800, s6  }
0xc: {  	[tilespmem:s7], [sflag:$0x2] =	stream.linear.gather [hbm4b:s6+s4], $0x20, $0x38;
	[tilespmem:$0x280] =	vst v63  }
0xd: {  	s8 =	simm.s32 $0x100  }
0xe: {  	[tilespmem:s8], [sflag:$0x3] =	stream.linear.gather [hbm4b:s2+s4], $0x80, $0x38;
	[tilespmem:$0x280] =	vst v63  }
0xf: {  	s9 =	simm.s32 $0x180;
	s10 =	simm.s32 $0x1  }
0x10: {  	[tilespmem:s9], [sflag:$0x4] =	stream.linear.gather [hbm4b:s3+s4], $0x80, $0x38;
	[tilespmem:$0x280] =	vst v63  }
0x11: {  	_ =	swait.ge [sflag:s10], $0x20  }
0x12: {  	[sflag:s10] =	ssyncset.done $0x0  }
0x13: {  	s11 =	simm.s32 $0x2;
	[sflag:s10] =	ssyncadd.s32 $0xFFFFFFE0  }
0x14: {  	_ =	swait.ge [sflag:s11], $0x20  }
0x15: {  	[sflag:s11] =	ssyncset.done $0x0  }
0x16: {  	s12 =	simm.s32 $0x3;
	[sflag:s11] =	ssyncadd.s32 $0xFFFFFFE0  }
0x17: {  	_ =	swait.ge [sflag:s12], $0x80  }
0x18: {  	[sflag:s12] =	ssyncset.done $0x0  }
0x19: {  	s13 =	simm.s32 $0x4;
	[sflag:s12] =	ssyncadd.s32 $0xFFFFFF80  }
0x1a: {  	_ =	swait.ge [sflag:s13], $0x80  }
0x1b: {  	[sflag:s13] =	ssyncset.done $0x0  }
0x1c: {  	[sflag:s13] =	ssyncadd.s32 $0xFFFFFF80  }
0x1d: {  	v0 =	vld [tilespmem:$0x0];
	_ =	sdelay $0x6  }
0x1e: {  	v2 =	vld [tilespmem:$0x80]  }
0x1f: {  	v1 =	vld.idx.msk [tilespmem:v0+s8+$0x0], $0xffff;
	_ =	sdelay $0x1  }
0x20: {  	v0 =	vld.idx.msk [tilespmem:v0+s9+$0x0], $0xffff;
	_ =	sdelay $0x2  }
0x21: {  	v1 =	vmul.f32 v2, v1;
	_ =	sdelay $0x1  }
0x22: {  	v0 =	vadd.f32 v1, v0;
	_ =	sdelay $0x1  }
0x23: {  	v0 =	vmul.f32 $1.442695020e+00, v0;
	_ =	sdelay $0x1  }
0x24: {  	(erf) = vpow2.f32 v0;
	_ =	sdelay $0x2  }
0x25: {  	v61 =	vld [tilespmem:$0x10];
	_ =	sdelay $0x5  }
0x26: {  	v62 =	vpop (erf)  }
0x27: {  	v63 =	vld [tilespmem:$0x90];
	[tilespmem:$0x200] =	vst v62  }
0x28: {  	v1 =	vld.idx.msk [tilespmem:v61+s8+$0x0], $0xffff;
	_ =	sdelay $0x1  }
0x29: {  	v0 =	vld.idx.msk [tilespmem:v61+s9+$0x0], $0xffff;
	_ =	sdelay $0x2  }
0x2a: {  	v1 =	vmul.f32 v63, v1;
	_ =	sdelay $0x1  }
0x2b: {  	v0 =	vadd.f32 v1, v0;
	_ =	sdelay $0x1  }
0x2c: {  	v0 =	vmul.f32 $1.442695020e+00, v0;
	_ =	sdelay $0x1  }
0x2d: {  	(erf) = vpow2.f32 v0;
	_ =	sdelay $0x3  }
0x2e: {  	s15 =	ssub.s32 $0x2, s15  }
0x2f: {  	s17 =	sshrl.u32 s15, $0x1  }
0x30: {  	s15 =	ssub.s32 s15, s17  }
0x31: {  	s17 =	smax.u32 s15, $0x1  }
0x32: {  	p0 =	sne.s32 s17, $0x1  }
.Ltmp0:
0x33: {  	v0 =	vpop (erf);
	(pc) =	sbr.rel @!p0 .LBB2_2-.Ltmp0, $4  }
0x34: {  	s14 =	sadd.s32 s14, s16;
	s16 =	simm.s32 $0x200;
	s15 =	simm.s32 $0x5;
	[tilespmem:$0x210] =	vst v0  }
0x35: {  	[hbm4b:s14+s4] =	stream.linear.scatter [tilespmem:s16], [sflag:$0x5], $0x20, $0x38;
	[tilespmem:$0x280] =	vst v63  }
0x36: {  	_ =	swait.ge [sflag:s15], $0x20  }
0x37: {  	s17 =	sadd.s32 $0xFFFFFFFF, s17;
	[sflag:s15] =	ssyncset.done $0x0  }
.LBB2_1:
0x38: {  	p0 =	sne.s32 s17, $0x1;
	s17 =	sadd.s32 $0xFFFFFFFF, s17;
	[sflag:s15] =	ssyncadd.s32 $0xFFFFFFE0  }
0x39: {  	[tilespmem:s4], [sflag:$0x1] =	stream.linear.gather [hbm4b:s5+s4], $0x20, $0x38;
	[tilespmem:$0x280] =	vst v63  }
0x3a: {  	_ = 	snop  }
0x3b: {  	[tilespmem:s7], [sflag:$0x2] =	stream.linear.gather [hbm4b:s6+s4], $0x20, $0x38;
	[tilespmem:$0x280] =	vst v63  }
0x3c: {  	_ = 	snop  }
0x3d: {  	[tilespmem:s8], [sflag:$0x3] =	stream.linear.gather [hbm4b:s2+s4], $0x80, $0x38;
	[tilespmem:$0x280] =	vst v63  }
0x3e: {  	_ = 	snop  }
0x3f: {  	[tilespmem:s9], [sflag:$0x4] =	stream.linear.gather [hbm4b:s3+s4], $0x80, $0x38;
	[tilespmem:$0x280] =	vst v63  }
0x40: {  	_ =	swait.ge [sflag:s10], $0x20  }
0x41: {  	[sflag:s10] =	ssyncset.done $0x0  }
0x42: {  	[sflag:s10] =	ssyncadd.s32 $0xFFFFFFE0  }
0x43: {  	_ =	swait.ge [sflag:s11], $0x20  }
0x44: {  	[sflag:s11] =	ssyncset.done $0x0  }
0x45: {  	[sflag:s11] =	ssyncadd.s32 $0xFFFFFFE0  }
0x46: {  	_ =	swait.ge [sflag:s12], $0x80  }
0x47: {  	[sflag:s12] =	ssyncset.done $0x0  }
0x48: {  	[sflag:s12] =	ssyncadd.s32 $0xFFFFFF80  }
0x49: {  	_ =	swait.ge [sflag:s13], $0x80  }
0x4a: {  	[sflag:s13] =	ssyncset.done $0x0  }
0x4b: {  	[sflag:s13] =	ssyncadd.s32 $0xFFFFFF80  }
0x4c: {  	v0 =	vld [tilespmem:$0x0];
	_ =	sdelay $0x7  }
0x4d: {  	v1 =	vld.idx.msk [tilespmem:v0+s8+$0x0], $0xffff  }
0x4e: {  	v2 =	vld [tilespmem:$0x80]  }
0x4f: {  	v0 =	vld.idx.msk [tilespmem:v0+s9+$0x0], $0xffff;
	_ =	sdelay $0x3  }
0x50: {  	v1 =	vmul.f32 v2, v1;
	_ =	sdelay $0x1  }
0x51: {  	v0 =	vadd.f32 v1, v0;
	_ =	sdelay $0x1  }
0x52: {  	v0 =	vmul.f32 $1.442695020e+00, v0;
	_ =	sdelay $0x1  }
0x53: {  	(erf) = vpow2.f32 v0;
	_ =	sdelay $0x2  }
0x54: {  	v0 =	vld [tilespmem:$0x10];
	_ =	sdelay $0x5  }
0x55: {  	v1 =	vpop (erf)  }
0x56: {  	[tilespmem:$0x200] =	vst v1  }
0x57: {  	v1 =	vld.idx.msk [tilespmem:v0+s8+$0x0], $0xffff  }
0x58: {  	v2 =	vld [tilespmem:$0x90]  }
0x59: {  	v0 =	vld.idx.msk [tilespmem:v0+s9+$0x0], $0xffff;
	_ =	sdelay $0x3  }
0x5a: {  	v1 =	vmul.f32 v2, v1;
	_ =	sdelay $0x1  }
0x5b: {  	v0 =	vadd.f32 v1, v0;
	_ =	sdelay $0x1  }
0x5c: {  	v0 =	vmul.f32 $1.442695020e+00, v0;
	_ =	sdelay $0x1  }
0x5d: {  	(erf) = vpow2.f32 v0;
	_ =	sdelay $0x8  }
.Ltmp1:
0x5e: {  	v0 =	vpop (erf);
	(pc) =	sbr.rel @p0 .LBB2_1-.Ltmp1, $4  }
0x5f: {  	[tilespmem:$0x210] =	vst v0  }
0x60: {  	[hbm4b:s14+s4] =	stream.linear.scatter [tilespmem:s16], [sflag:$0x5], $0x20, $0x38;
	[tilespmem:$0x280] =	vst v63  }
0x61: {  	_ =	swait.ge [sflag:s15], $0x20  }
0x62: {  	[sflag:s15] =	ssyncset.done $0x0  }
.LBB2_2:
0x63: {  	[sflag:s15] =	ssyncadd.s32 $0xFFFFFFE0  }
0x64: {  	_ =	sfence.sel $0x180000  }
0x65: {  	[bflag:$0x0] =	sbarrier.arrive $0xFFFF  }
0x66: {  	p0 =	sne.s32 s1, $0x0;
	_ =	strace $0x90000047  }
0x67: {  	s0 =	sadd.s32 @!p0 $0x100000, s0;
	[bflag:$0x2] =	sbarrier.arrive $0xFFFF  }
0x68: {  	[sflag:s0] =	ssyncadd.tile.s32 @!p0 $0x1;
	_ =	shalt  }
.Lfunc_end2:
_tile_overlayer_lowered:
.L_overlay_start_2:
0x69: {  	(tag) =	ssettag $0x2  }
0x6a: {  	s0 =	rddreg [dreg:$0x0];
	s2 =	stileid.u32  }
0x6b: {  	s1 =	rddreg [dreg:$0x1];
	p0 =	sne.s32 s2, $0x0  }
0x6c: {  	s3 =	rddreg [dreg:$0x2];
	[bflag:$0x3] =	sbarrier.arrive $0xFFFF;
	s2 =	simm.s32 @!p0 $0x1C05  }
0x6d: {  	[timem:s3], [sflag:s2] =	dma.local @!p0 [hbm:s0], s1  }
0x6e: {  	s0 =	simm.s32 @!p0 $0x5  }
0x6f: {  	_ =	swait.ge @!p0 [sflag:s0], s1  }
0x70: {  	s1 =	ssub.s32 @!p0 $0x0, s1;
	[sflag:s0] =	ssyncset.done @!p0 $0x0  }
0x71: {  	[sflag:s0] =	ssyncadd.s32 @!p0 s1  }
0x72: {  	[bflag:$0x3] =	sbarrier.arrive $0xFFFF  }
0x73: {  	_ =	shalt  }

</sc_bundles>
